<compile_context>
chip_gen: v7x
topology: tpu7x:2x2x1
jax: 0.10.2.dev20260603
libtpu: 0.0.44.dev20260713+nightly
codegen_flags: <defaults>
</compile_context>

<pallas_src>
import functools

import jax
import jax.numpy as jnp
from jax import lax
from jax.experimental import pallas as pl
from jax.experimental.pallas import tpu as pltpu
from jax.experimental.pallas import tpu_sc as plsc

N, B, OS, CS, H = 32768, 16, 64, 128, 64
BN = 4096
NB = N // BN
NEG = -1e30

_NT = (((1,), (1,)), ((), ()))


def _init_body(ctx_ref, Wq_ref, bq_ref, W3k_ref, b3k_ref, wlog_ref, blog_ref):
    f32 = jnp.float32
    q_all = jnp.dot(ctx_ref[...], Wq_ref[...], preferred_element_type=f32) + bq_ref[...]
    wlog_ref[...] = (lax.dot_general(q_all, W3k_ref[...], _NT,
                                     preferred_element_type=f32) * 0.125
                     ).astype(jnp.bfloat16)
    blog_ref[...] = jnp.sum(q_all * b3k_ref[...], axis=1,
                            keepdims=True) * 0.125


def _pass1_body(obj_ref, seg_ref, W1_ref, b1_ref, W2_ref, b2_ref,
                W3v_ref, b3v_ref, wlog_ref, blog_ref,
                logits_ref, m_ref, d_ref, emb_ref,
                acc_ref, ms_ref, ds_ref):
    i = pl.program_id(0)
    f32 = jnp.float32
    bf16 = jnp.bfloat16

    @pl.when(i == 0)
    def _init():
        ms_ref[...] = jnp.full((B, 1), NEG, f32)
        ds_ref[...] = jnp.zeros((B, 1), f32)
        acc_ref[...] = jnp.zeros((B, H), f32)

    obj = obj_ref[...]
    h = jnp.dot(obj, W1_ref[...], preferred_element_type=f32) + b1_ref[...]
    h = jnp.maximum(h, 0.0).astype(bf16)
    h = jnp.dot(h, W2_ref[...], preferred_element_type=f32) + b2_ref[...]
    h = jnp.maximum(h, 0.0).astype(bf16)
    value = (jnp.dot(h, W3v_ref[...], preferred_element_type=f32)
             + b3v_ref[...]).astype(bf16)

    logits_t = lax.dot_general(wlog_ref[...], h, _NT,
                               preferred_element_type=f32) + blog_ref[...]

    seg = seg_ref[...]
    row = lax.broadcasted_iota(jnp.int32, (B, BN), 0)
    mask = seg == row
    masked = jnp.where(mask, logits_t, -jnp.inf)

    logits_ref[...] = jnp.sum(jnp.where(mask, logits_t, 0.0), axis=0, keepdims=True)

    bm = jnp.max(masked, axis=1, keepdims=True)
    m_old = ms_ref[...]
    m_new = jnp.maximum(m_old, bm)
    alpha = jnp.exp(m_old - m_new)
    ms_ref[...] = m_new
    e = jnp.exp(masked - m_new)
    ds_ref[...] = ds_ref[...] * alpha + jnp.sum(e, axis=1, keepdims=True)
    acc_ref[...] = acc_ref[...] * alpha + jnp.dot(
        e.astype(bf16), value, preferred_element_type=f32)

    d = ds_ref[...]
    m_ref[...] = ms_ref[...]
    d_ref[...] = d
    emb_ref[...] = jnp.where(d > 0.0, acc_ref[...] / d, 0.0)


_NW = 32
_CHUNK = N // _NW

_sc_mesh = plsc.VectorSubcoreMesh(core_axis_name="c", subcore_axis_name="s")


@functools.partial(
    pl.kernel, mesh=_sc_mesh,
    out_type=jax.ShapeDtypeStruct((N,), jnp.float32),
    scratch_types=[
        pltpu.VMEM((_CHUNK,), jnp.float32),
        pltpu.VMEM((_CHUNK,), jnp.int32),
        pltpu.VMEM((B,), jnp.float32),
        pltpu.VMEM((B,), jnp.float32),
        pltpu.VMEM((_CHUNK,), jnp.float32),
    ],
)
def _sc_pass2(logits_hbm, seg_hbm, m_hbm, d_hbm, out_hbm,
              lg_v, seg_v, m_v, d_v, o_v):
    wid = lax.axis_index("s") * 2 + lax.axis_index("c")
    base = wid * _CHUNK
    pltpu.sync_copy(logits_hbm.at[pl.ds(base, _CHUNK)], lg_v)
    pltpu.sync_copy(seg_hbm.at[pl.ds(base, _CHUNK)], seg_v)
    pltpu.sync_copy(m_hbm, m_v)
    pltpu.sync_copy(d_hbm, d_v)

    m_vec = m_v[...]
    d_vec = d_v[...]
    _dn = lax.GatherDimensionNumbers(offset_dims=(), collapsed_slice_dims=(0,),
                                     start_index_map=(0,))

    def _take16(vec, idx):
        return lax.gather(vec, idx[:, None], _dn, slice_sizes=(1,),
                          mode=lax.GatherScatterMode.PROMISE_IN_BOUNDS)

    def body(j, carry):
        sl = pl.ds(j * 16, 16)
        s = seg_v[sl]
        o_v[sl] = jnp.exp(lg_v[sl] - _take16(m_vec, s)) / _take16(d_vec, s)
        return carry

    lax.fori_loop(0, _CHUNK // 16, body, 0)
    pltpu.sync_copy(o_v, out_hbm.at[pl.ds(base, _CHUNK)])


@jax.jit
def kernel(objects, context, segment_ids, W1, b1, W2, b2, W3, b3, Wq, bq):
    seg2d = segment_ids.reshape(1, N)
    bf16 = jnp.bfloat16
    obj_b = objects.astype(bf16)
    W3k, W3v = W3[:, :H], W3[:, H:].astype(bf16)
    b3k, b3v = b3[:H].reshape(1, H), b3[H:].reshape(1, H)
    b1r, b2r, bqr = b1.reshape(1, H), b2.reshape(1, H), bq.reshape(1, H)
    W1b, W2b = W1.astype(bf16), W2.astype(bf16)

    full = lambda s: pl.BlockSpec(s, lambda i: tuple(0 for _ in s))

    wlog, blog = pl.pallas_call(
        _init_body,
        grid=(1,),
        in_specs=[full((B, CS)), full((CS, H)), full((1, H)),
                  full((H, H)), full((1, H))],
        out_specs=[full((B, H)), full((B, 1))],
        out_shape=[
            jax.ShapeDtypeStruct((B, H), jnp.bfloat16),
            jax.ShapeDtypeStruct((B, 1), jnp.float32),
        ],
    )(context, Wq, bqr, W3k, b3k)

    logits, m, d, emb = pl.pallas_call(
        _pass1_body,
        grid=(NB,),
        in_specs=[
            pl.BlockSpec((BN, OS), lambda i: (i, 0)),
            pl.BlockSpec((1, BN), lambda i: (0, i)),
            full((OS, H)), full((1, H)),
            full((H, H)), full((1, H)),
            full((H, H)), full((1, H)),
            full((B, H)), full((B, 1)),
        ],
        out_specs=[
            pl.BlockSpec((1, BN), lambda i: (0, i)),
            full((B, 1)), full((B, 1)), full((B, H)),
        ],
        out_shape=[
            jax.ShapeDtypeStruct((1, N), jnp.float32),
            jax.ShapeDtypeStruct((B, 1), jnp.float32),
            jax.ShapeDtypeStruct((B, 1), jnp.float32),
            jax.ShapeDtypeStruct((B, H), jnp.float32),
        ],
        scratch_shapes=[
            pltpu.VMEM((B, H), jnp.float32),
            pltpu.VMEM((B, 1), jnp.float32),
            pltpu.VMEM((B, 1), jnp.float32),
        ],
        compiler_params=pltpu.CompilerParams(
            dimension_semantics=("arbitrary",),
        ),
    )(obj_b, seg2d, W1b, b1r, W2b, b2r, W3v, b3v, wlog, blog)

    weights = _sc_pass2(logits.reshape(N), segment_ids,
                        m.reshape(B), d.reshape(B))

    return emb, weights

# --- scband reference (transcript-rebuilt; emitter-appended) ---
"""Pipeline reference for scband-object-selector-78692390797622 (READ-ONLY COPY).

The authoritative reference and input builder live on the scoring server;
editing this copy changes nothing except your own understanding.
"""

import jax, jax.numpy as jnp
import numpy as np
import math

N = 32768
B = 16
OS = 64
CS = 128
H = 64

def _linear_params(k, fan_in, shape_w, shape_b):
    bound = 1.0 / math.sqrt(fan_in)
    kw, kb = jax.random.split(k)
    W = jax.random.uniform(kw, shape_w, jnp.float32, -bound, bound)
    b = jax.random.uniform(kb, shape_b, jnp.float32, -bound, bound)
    return W, b

def setup_inputs(seed: int = 0) -> dict:
    key = jax.random.key(seed)
    ks = jax.random.split(key, 8)
    objects = jax.random.normal(ks[0], (N, OS), jnp.float32)
    context = jax.random.normal(ks[1], (B, CS), jnp.float32)
    segment_ids = jnp.sort(jax.random.randint(ks[2], (N,), 0, B)).astype(jnp.int32)
    W1, b1 = _linear_params(ks[3], OS, (OS, H), (H,))
    W2, b2 = _linear_params(ks[4], H, (H, H), (H,))
    W3, b3 = _linear_params(ks[5], H, (H, 2 * H), (2 * H,))
    Wq, bq = _linear_params(ks[6], CS, (CS, H), (H,))
    return {"objects": objects, "context": context, "segment_ids": segment_ids,
            "W1": W1, "b1": b1, "W2": W2, "b2": b2, "W3": W3, "b3": b3,
            "Wq": Wq, "bq": bq}

def reference(objects, context, segment_ids, W1, b1, W2, b2, W3, b3, Wq, bq):
    num_seg = context.shape[0]
    hidden = Wq.shape[1]
    # kv MLP: Linear -> ReLU -> Linear -> ReLU -> Linear(2H)
    h = jax.nn.relu(objects @ W1 + b1)
    h = jax.nn.relu(h @ W2 + b2)
    kv = h @ W3 + b3
    key_, value = jnp.split(kv, 2, axis=1)
    # query = repeat_interleave(q(context), split_sections) == gather by segment id
    q_all = context @ Wq + bq
    query = jnp.take(q_all, segment_ids, axis=0)
    logits = jnp.sum(query * key_, axis=1) / jnp.sqrt(jnp.float32(hidden))
    # per-segment softmax (ragged softmax via segment reductions)
    seg_max = jax.ops.segment_max(logits, segment_ids, num_segments=num_seg)
    m = jax.lax.stop_gradient(jnp.where(jnp.isfinite(seg_max), seg_max, 0.0))
    e = jnp.exp(logits - jnp.take(m, segment_ids, axis=0))
    denom = jax.ops.segment_sum(e, segment_ids, num_segments=num_seg)
    weights = e / jnp.take(denom, segment_ids, axis=0)
    # embeddings: per-segment weighted sum of values
    embedding = jax.ops.segment_sum(weights[:, None] * value, segment_ids, num_segments=num_seg)
    return embedding, weights

if __name__ == "__main__":
    import jax
    _d = setup_inputs()
    print(jax.jit(kernel)(*tuple(_d.values())))

</pallas_src>

<mosaic_0001>
#map = affine_map<(d0, d1) -> (0)>
module attributes {stable_mosaic.version = 14 : i64} {
  func.func @_sc_pass2(%arg0: i32, %arg1: i32, %arg2: memref<32768xf32, #tpu.memory_space<hbm>>, %arg3: memref<32768xi32, #tpu.memory_space<hbm>>, %arg4: memref<16xf32, #tpu.memory_space<hbm>>, %arg5: memref<16xf32, #tpu.memory_space<hbm>>, %arg6: memref<32768xf32, #tpu.memory_space<hbm>>, %arg7: memref<1024xf32, #tpu.memory_space<vmem>>, %arg8: memref<1024xi32, #tpu.memory_space<vmem>>, %arg9: memref<16xf32, #tpu.memory_space<vmem>>, %arg10: memref<16xf32, #tpu.memory_space<vmem>>, %arg11: memref<1024xf32, #tpu.memory_space<vmem>>) attributes {dimension_semantics = [#tpu.dimension_semantics<core_parallel>, #tpu.dimension_semantics<subcore_parallel>], iteration_bounds = array<i64: 2, 16>, scalar_prefetch = 0 : i64, scratch_operands = 5 : i64, tpu.core_type = #tpu.core_type<sc_vector_subcore>, window_params = [{transform_indices = #map}, {transform_indices = #map}, {transform_indices = #map}, {transform_indices = #map}, {transform_indices = #map}]} {
    %mul3A = arith.constant 2 : i32
    %mul3A_0 = arith.muli %arg1, %mul3A : i32
    %add3A = arith.addi %mul3A_0, %arg0 : i32
    %mul3A_1 = arith.constant 1024 : i32
    %mul3A_2 = arith.muli %add3A, %mul3A_1 : i32
    "tpu.region"() ({
      %run_scoped3A = tpu.sem_alloc : memref<!tpu.dma_semaphore, #tpu.memory_space<semaphore_mem>>
      %dma_start3A = tpu.memref_slice %arg2[%mul3A_2] : memref<32768xf32, #tpu.memory_space<hbm>> -> memref<1024xf32, #tpu.memory_space<hbm>>
      %dma_start3A_13 = tpu.memref_slice %arg2[%mul3A_2] : memref<32768xf32, #tpu.memory_space<hbm>> -> memref<1024xf32, #tpu.memory_space<hbm>>
      tpu.enqueue_dma source(%dma_start3A_13 : memref<1024xf32, #tpu.memory_space<hbm>>) target(%arg7 : memref<1024xf32, #tpu.memory_space<vmem>>) target_semaphore(%run_scoped3A : memref<!tpu.dma_semaphore, #tpu.memory_space<semaphore_mem>>)
      %dma_wait3A = tpu.memref_slice %arg2[%mul3A_2] : memref<32768xf32, #tpu.memory_space<hbm>> -> memref<1024xf32, #tpu.memory_space<hbm>>
      %dma_wait3A_14 = tpu.memref_slice %arg2[%mul3A_2] : memref<32768xf32, #tpu.memory_space<hbm>> -> memref<1024xf32, #tpu.memory_space<hbm>>
      tpu.wait_dma2 semaphore(%run_scoped3A : memref<!tpu.dma_semaphore, #tpu.memory_space<semaphore_mem>>) src(%dma_wait3A_14 : memref<1024xf32, #tpu.memory_space<hbm>>) dst(%arg7 : memref<1024xf32, #tpu.memory_space<vmem>>)
      tpu.yield
    }) : () -> ()
    "tpu.region"() ({
      %run_scoped3A = tpu.sem_alloc : memref<!tpu.dma_semaphore, #tpu.memory_space<semaphore_mem>>
      %dma_start3A = tpu.memref_slice %arg3[%mul3A_2] : memref<32768xi32, #tpu.memory_space<hbm>> -> memref<1024xi32, #tpu.memory_space<hbm>>
      %dma_start3A_13 = tpu.memref_slice %arg3[%mul3A_2] : memref<32768xi32, #tpu.memory_space<hbm>> -> memref<1024xi32, #tpu.memory_space<hbm>>
      tpu.enqueue_dma source(%dma_start3A_13 : memref<1024xi32, #tpu.memory_space<hbm>>) target(%arg8 : memref<1024xi32, #tpu.memory_space<vmem>>) target_semaphore(%run_scoped3A : memref<!tpu.dma_semaphore, #tpu.memory_space<semaphore_mem>>)
      %dma_wait3A = tpu.memref_slice %arg3[%mul3A_2] : memref<32768xi32, #tpu.memory_space<hbm>> -> memref<1024xi32, #tpu.memory_space<hbm>>
      %dma_wait3A_14 = tpu.memref_slice %arg3[%mul3A_2] : memref<32768xi32, #tpu.memory_space<hbm>> -> memref<1024xi32, #tpu.memory_space<hbm>>
      tpu.wait_dma2 semaphore(%run_scoped3A : memref<!tpu.dma_semaphore, #tpu.memory_space<semaphore_mem>>) src(%dma_wait3A_14 : memref<1024xi32, #tpu.memory_space<hbm>>) dst(%arg8 : memref<1024xi32, #tpu.memory_space<vmem>>)
      tpu.yield
    }) : () -> ()
    "tpu.region"() ({
      %run_scoped3A = tpu.sem_alloc : memref<!tpu.dma_semaphore, #tpu.memory_space<semaphore_mem>>
      tpu.enqueue_dma source(%arg4 : memref<16xf32, #tpu.memory_space<hbm>>) target(%arg9 : memref<16xf32, #tpu.memory_space<vmem>>) target_semaphore(%run_scoped3A : memref<!tpu.dma_semaphore, #tpu.memory_space<semaphore_mem>>)
      tpu.wait_dma2 semaphore(%run_scoped3A : memref<!tpu.dma_semaphore, #tpu.memory_space<semaphore_mem>>) src(%arg4 : memref<16xf32, #tpu.memory_space<hbm>>) dst(%arg9 : memref<16xf32, #tpu.memory_space<vmem>>)
      tpu.yield
    }) : () -> ()
    "tpu.region"() ({
      %run_scoped3A = tpu.sem_alloc : memref<!tpu.dma_semaphore, #tpu.memory_space<semaphore_mem>>
      tpu.enqueue_dma source(%arg5 : memref<16xf32, #tpu.memory_space<hbm>>) target(%arg10 : memref<16xf32, #tpu.memory_space<vmem>>) target_semaphore(%run_scoped3A : memref<!tpu.dma_semaphore, #tpu.memory_space<semaphore_mem>>)
      tpu.wait_dma2 semaphore(%run_scoped3A : memref<!tpu.dma_semaphore, #tpu.memory_space<semaphore_mem>>) src(%arg5 : memref<16xf32, #tpu.memory_space<hbm>>) dst(%arg10 : memref<16xf32, #tpu.memory_space<vmem>>)
      tpu.yield
    }) : () -> ()
    %get3A = arith.constant 0 : index
    %get3A_3 = tpu.vector_load %arg9[%get3A] {strides = array<i32>} : memref<16xf32, #tpu.memory_space<vmem>>, vector<16xf32>,
    %get3A_4 = vector.shape_cast %get3A_3 : vector<16xf32> to vector<16xf32>
    %get3A_5 = arith.constant 0 : index
    %get3A_6 = tpu.vector_load %arg10[%get3A_5] {strides = array<i32>} : memref<16xf32, #tpu.memory_space<vmem>>, vector<16xf32>,
    %get3A_7 = vector.shape_cast %get3A_6 : vector<16xf32> to vector<16xf32>
    %scan3A = arith.constant 0 : i32
    %scan3A_8 = arith.constant 0 : i32
    %scan3A_9 = arith.constant 64 : i32
    %scan3A_10 = arith.addi %scan3A_8, %scan3A_9 : i32
    %scan3A_11 = arith.constant 1 : i32
    scf.for %scan3A_13 = %scan3A_8 to %scan3A_10 step %scan3A_11  : i32 {
      %mul3A_14 = arith.constant 16 : i32
      %mul3A_15 = arith.muli %scan3A_13, %mul3A_14 : i32
      %get3A_16 = arith.index_cast %mul3A_15 : i32 to index
      %get3A_17 = tpu.vector_load %arg8[%get3A_16] {strides = array<i32>} : memref<1024xi32, #tpu.memory_space<vmem>>, vector<16xi32>,
      %get3A_18 = vector.shape_cast %get3A_17 : vector<16xi32> to vector<16xi32>
      %get3A_19 = arith.index_cast %mul3A_15 : i32 to index
      %get3A_20 = tpu.vector_load %arg7[%get3A_19] {strides = array<i32>} : memref<1024xf32, #tpu.memory_space<vmem>>, vector<16xf32>,
      %get3A_21 = vector.shape_cast %get3A_20 : vector<16xf32> to vector<16xf32>
      %broadcast_in_dim3A = vector.shape_cast %get3A_18 : vector<16xi32> to vector<16x1xi32>
      %gather3A = vector.shape_cast %broadcast_in_dim3A : vector<16x1xi32> to vector<16xi32>
      %gather3A_22 = tpu.dynamic_gather %get3A_4[%gather3A] in [0] : vector<16xf32>, vector<16xi32> -> vector<16xf32>
      %sub3A = arith.subf %get3A_21, %gather3A_22 : vector<16xf32>
      %exp3A = math.exp %sub3A : vector<16xf32>
      %broadcast_in_dim3A_23 = vector.shape_cast %get3A_18 : vector<16xi32> to vector<16x1xi32>
      %gather3A_24 = vector.shape_cast %broadcast_in_dim3A_23 : vector<16x1xi32> to vector<16xi32>
      %gather3A_25 = tpu.dynamic_gather %get3A_7[%gather3A_24] in [0] : vector<16xf32>, vector<16xi32> -> vector<16xf32>
      %div3A = arith.divf %exp3A, %gather3A_25 : vector<16xf32>
      %swap3A = arith.index_cast %mul3A_15 : i32 to index
      %swap3A_26 = tpu.vector_load %arg11[%swap3A] {strides = array<i32>} : memref<1024xf32, #tpu.memory_space<vmem>>, vector<16xf32>,
      %swap3A_27 = vector.shape_cast %swap3A_26 : vector<16xf32> to vector<16xf32>
      %swap3A_28 = vector.shape_cast %div3A : vector<16xf32> to vector<16xf32>
      tpu.vector_store %arg11[%swap3A], %swap3A_28 {strides = array<i32>} : memref<1024xf32, #tpu.memory_space<vmem>>, vector<16xf32>,
    }
    %scan3A_12 = arith.constant 64 : i32
    "tpu.region"() ({
      %run_scoped3A = tpu.sem_alloc : memref<!tpu.dma_semaphore, #tpu.memory_space<semaphore_mem>>
      %dma_start3A = tpu.memref_slice %arg6[%mul3A_2] : memref<32768xf32, #tpu.memory_space<hbm>> -> memref<1024xf32, #tpu.memory_space<hbm>>
      %dma_start3A_13 = tpu.memref_slice %arg6[%mul3A_2] : memref<32768xf32, #tpu.memory_space<hbm>> -> memref<1024xf32, #tpu.memory_space<hbm>>
      tpu.enqueue_dma source(%arg11 : memref<1024xf32, #tpu.memory_space<vmem>>) target(%dma_start3A_13 : memref<1024xf32, #tpu.memory_space<hbm>>) target_semaphore(%run_scoped3A : memref<!tpu.dma_semaphore, #tpu.memory_space<semaphore_mem>>)
      %dma_wait3A = tpu.memref_slice %arg6[%mul3A_2] : memref<32768xf32, #tpu.memory_space<hbm>> -> memref<1024xf32, #tpu.memory_space<hbm>>
      %dma_wait3A_14 = tpu.memref_slice %arg6[%mul3A_2] : memref<32768xf32, #tpu.memory_space<hbm>> -> memref<1024xf32, #tpu.memory_space<hbm>>
      tpu.wait_dma2 semaphore(%run_scoped3A : memref<!tpu.dma_semaphore, #tpu.memory_space<semaphore_mem>>) src(%arg11 : memref<1024xf32, #tpu.memory_space<vmem>>) dst(%dma_wait3A_14 : memref<1024xf32, #tpu.memory_space<hbm>>)
      tpu.yield
    }) : () -> ()
    return
  }
}

module attributes {stable_mosaic.version = 14 : i64} {
  func.func @_init_body(%arg0: i32, %arg1: memref<16x128xf32, #tpu.memory_space<vmem>>, %arg2: memref<128x64xf32, #tpu.memory_space<vmem>>, %arg3: memref<1x64xf32, #tpu.memory_space<vmem>>, %arg4: memref<64x64xf32, #tpu.memory_space<vmem>>, %arg5: memref<1x64xf32, #tpu.memory_space<vmem>>, %arg6: memref<16x64xbf16, #tpu.memory_space<vmem>>, %arg7: memref<16x1xf32, #tpu.memory_space<vmem>>) attributes {dimension_semantics = [#tpu.dimension_semantics<arbitrary>], iteration_bounds = array<i64: 1>, scalar_prefetch = 0 : i64, scratch_operands = 0 : i64, tpu.core_type = #tpu.core_type<tc>, window_params = [{pipeline_mode = #tpu.pipeline_mode<synchronous>, transform_indices = @transform_0, window_bounds = array<i64: 16, 128>}, {pipeline_mode = #tpu.pipeline_mode<synchronous>, transform_indices = @transform_1, window_bounds = array<i64: 128, 64>}, {pipeline_mode = #tpu.pipeline_mode<synchronous>, transform_indices = @transform_2, window_bounds = array<i64: 1, 64>}, {pipeline_mode = #tpu.pipeline_mode<synchronous>, transform_indices = @transform_3, window_bounds = array<i64: 64, 64>}, {pipeline_mode = #tpu.pipeline_mode<synchronous>, transform_indices = @transform_4, window_bounds = array<i64: 1, 64>}, {pipeline_mode = #tpu.pipeline_mode<synchronous>, transform_indices = @transform_5, window_bounds = array<i64: 16, 64>}, {pipeline_mode = #tpu.pipeline_mode<synchronous>, transform_indices = @transform_6, window_bounds = array<i64: 16, 1>}]} {
    %get3A = arith.constant 0 : index
    %get3A_0 = arith.constant 0 : index
    %get3A_1 = vector.load %arg1[%get3A, %get3A_0] : memref<16x128xf32, #tpu.memory_space<vmem>>, vector<16x128xf32>
    %get3A_2 = arith.constant 0 : index
    %get3A_3 = arith.constant 0 : index
    %get3A_4 = vector.load %arg2[%get3A_2, %get3A_3] : memref<128x64xf32, #tpu.memory_space<vmem>>, vector<128x64xf32>
    %dot_general3A = arith.constant dense<0.000000e+00> : vector<16x64xf32>
    %dot_general3A_5 = tpu.matmul %get3A_1, %get3A_4, %dot_general3A {dimension_numbers = #tpu.dot_dimension_numbers<[1], [0], [0], [1], [0, 0, 1, 1], [], []>, transpose_lhs_hint = false} : vector<16x128xf32>, vector<128x64xf32>, vector<16x64xf32> -> vector<16x64xf32>
    %get3A_6 = arith.constant 0 : index
    %get3A_7 = arith.constant 0 : index
    %get3A_8 = vector.load %arg3[%get3A_6, %get3A_7] : memref<1x64xf32, #tpu.memory_space<vmem>>, vector<1x64xf32>
    %add3A = vector.broadcast %get3A_8 : vector<1x64xf32> to vector<16x64xf32>
    %add3A_9 = arith.addf %dot_general3A_5, %add3A : vector<16x64xf32>
    %get3A_10 = arith.constant 0 : index
    %get3A_11 = arith.constant 0 : index
    %get3A_12 = vector.load %arg4[%get3A_10, %get3A_11] : memref<64x64xf32, #tpu.memory_space<vmem>>, vector<64x64xf32>
    %dot_general3A_13 = arith.constant dense<0.000000e+00> : vector<16x64xf32>
    %dot_general3A_14 = tpu.matmul %add3A_9, %get3A_12, %dot_general3A_13 {dimension_numbers = #tpu.dot_dimension_numbers<[1], [1], [0], [0], [0, 0, 1, 0], [], []>, transpose_lhs_hint = false} : vector<16x64xf32>, vector<64x64xf32>, vector<16x64xf32> -> vector<16x64xf32>
    %mul3A = arith.constant 1.250000e-01 : f32
    %mul3A_15 = vector.broadcast %mul3A : f32 to vector<16x64xf32>
    %mul3A_16 = arith.mulf %dot_general3A_14, %mul3A_15 : vector<16x64xf32>
    %convert_element_type3A = arith.truncf %mul3A_16 : vector<16x64xf32> to vector<16x64xbf16>
    %swap3A = arith.constant 0 : index
    %swap3A_17 = arith.constant 0 : index
    %swap3A_18 = vector.load %arg6[%swap3A, %swap3A_17] : memref<16x64xbf16, #tpu.memory_space<vmem>>, vector<16x64xbf16>
    tpu.vector_store %arg6[%swap3A, %swap3A_17], %convert_element_type3A {strides = array<i32>} : memref<16x64xbf16, #tpu.memory_space<vmem>>, vector<16x64xbf16>,
    %get3A_19 = arith.constant 0 : index
    %get3A_20 = arith.constant 0 : index
    %get3A_21 = vector.load %arg5[%get3A_19, %get3A_20] : memref<1x64xf32, #tpu.memory_space<vmem>>, vector<1x64xf32>
    %mul3A_22 = vector.broadcast %get3A_21 : vector<1x64xf32> to vector<16x64xf32>
    %mul3A_23 = arith.mulf %add3A_9, %mul3A_22 : vector<16x64xf32>
    %reduce_sum3A = arith.constant dense<0.000000e+00> : vector<16xf32>
    %reduce_sum3A_24 = vector.multi_reduction <add>, %mul3A_23, %reduce_sum3A [1] : vector<16x64xf32> to vector<16xf32>
    %broadcast_in_dim3A = vector.shape_cast %reduce_sum3A_24 : vector<16xf32> to vector<16x1xf32>
    %mul3A_25 = arith.constant 1.250000e-01 : f32
    %mul3A_26 = vector.broadcast %mul3A_25 : f32 to vector<16x1xf32>
    %mul3A_27 = arith.mulf %broadcast_in_dim3A, %mul3A_26 : vector<16x1xf32>
    %swap3A_28 = arith.constant 0 : index
    %swap3A_29 = arith.constant 0 : index
    %swap3A_30 = vector.load %arg7[%swap3A_28, %swap3A_29] : memref<16x1xf32, #tpu.memory_space<vmem>>, vector<16x1xf32>
    tpu.vector_store %arg7[%swap3A_28, %swap3A_29], %mul3A_27 {strides = array<i32>} : memref<16x1xf32, #tpu.memory_space<vmem>>, vector<16x1xf32>,
    return
  }
  func.func @transform_0(%arg0: i32) -> (i32, i32) {
    %c0_i32 = arith.constant 0 : i32
    %c0_i32_0 = arith.constant 0 : i32
    %c0_i32_1 = arith.constant 0 : i32
    return %c0_i32, %c0_i32_0 : i32, i32
  }
  func.func @transform_1(%arg0: i32) -> (i32, i32) {
    %c0_i32 = arith.constant 0 : i32
    %c0_i32_0 = arith.constant 0 : i32
    %c0_i32_1 = arith.constant 0 : i32
    return %c0_i32, %c0_i32_0 : i32, i32
  }
  func.func @transform_2(%arg0: i32) -> (i32, i32) {
    %c0_i32 = arith.constant 0 : i32
    %c0_i32_0 = arith.constant 0 : i32
    %c0_i32_1 = arith.constant 0 : i32
    return %c0_i32, %c0_i32_0 : i32, i32
  }
  func.func @transform_3(%arg0: i32) -> (i32, i32) {
    %c0_i32 = arith.constant 0 : i32
    %c0_i32_0 = arith.constant 0 : i32
    %c0_i32_1 = arith.constant 0 : i32
    return %c0_i32, %c0_i32_0 : i32, i32
  }
  func.func @transform_4(%arg0: i32) -> (i32, i32) {
    %c0_i32 = arith.constant 0 : i32
    %c0_i32_0 = arith.constant 0 : i32
    %c0_i32_1 = arith.constant 0 : i32
    return %c0_i32, %c0_i32_0 : i32, i32
  }
  func.func @transform_5(%arg0: i32) -> (i32, i32) {
    %c0_i32 = arith.constant 0 : i32
    %c0_i32_0 = arith.constant 0 : i32
    %c0_i32_1 = arith.constant 0 : i32
    return %c0_i32, %c0_i32_0 : i32, i32
  }
  func.func @transform_6(%arg0: i32) -> (i32, i32) {
    %c0_i32 = arith.constant 0 : i32
    %c0_i32_0 = arith.constant 0 : i32
    %c0_i32_1 = arith.constant 0 : i32
    return %c0_i32, %c0_i32_0 : i32, i32
  }
}

module attributes {stable_mosaic.version = 14 : i64} {
  func.func @_pass1_body(%arg0: i32, %arg1: memref<4096x64xbf16, #tpu.memory_space<vmem>>, %arg2: memref<1x4096xi32, #tpu.memory_space<vmem>>, %arg3: memref<64x64xbf16, #tpu.memory_space<vmem>>, %arg4: memref<1x64xf32, #tpu.memory_space<vmem>>, %arg5: memref<64x64xbf16, #tpu.memory_space<vmem>>, %arg6: memref<1x64xf32, #tpu.memory_space<vmem>>, %arg7: memref<64x64xbf16, #tpu.memory_space<vmem>>, %arg8: memref<1x64xf32, #tpu.memory_space<vmem>>, %arg9: memref<16x64xbf16, #tpu.memory_space<vmem>>, %arg10: memref<16x1xf32, #tpu.memory_space<vmem>>, %arg11: memref<1x4096xf32, #tpu.memory_space<vmem>>, %arg12: memref<16x1xf32, #tpu.memory_space<vmem>>, %arg13: memref<16x1xf32, #tpu.memory_space<vmem>>, %arg14: memref<16x64xf32, #tpu.memory_space<vmem>>, %arg15: memref<16x64xf32, #tpu.memory_space<vmem>>, %arg16: memref<16x1xf32, #tpu.memory_space<vmem>>, %arg17: memref<16x1xf32, #tpu.memory_space<vmem>>) attributes {dimension_semantics = [#tpu.dimension_semantics<arbitrary>], iteration_bounds = array<i64: 8>, scalar_prefetch = 0 : i64, scratch_operands = 3 : i64, tpu.core_type = #tpu.core_type<tc>, window_params = [{transform_indices = @transform_0, window_bounds = array<i64: 4096, 64>}, {transform_indices = @transform_1, window_bounds = array<i64: 1, 4096>}, {pipeline_mode = #tpu.pipeline_mode<synchronous>, transform_indices = @transform_2, window_bounds = array<i64: 64, 64>}, {pipeline_mode = #tpu.pipeline_mode<synchronous>, transform_indices = @transform_3, window_bounds = array<i64: 1, 64>}, {pipeline_mode = #tpu.pipeline_mode<synchronous>, transform_indices = @transform_4, window_bounds = array<i64: 64, 64>}, {pipeline_mode = #tpu.pipeline_mode<synchronous>, transform_indices = @transform_5, window_bounds = array<i64: 1, 64>}, {pipeline_mode = #tpu.pipeline_mode<synchronous>, transform_indices = @transform_6, window_bounds = array<i64: 64, 64>}, {pipeline_mode = #tpu.pipeline_mode<synchronous>, transform_indices = @transform_7, window_bounds = array<i64: 1, 64>}, {pipeline_mode = #tpu.pipeline_mode<synchronous>, transform_indices = @transform_8, window_bounds = array<i64: 16, 64>}, {pipeline_mode = #tpu.pipeline_mode<synchronous>, transform_indices = @transform_9, window_bounds = array<i64: 16, 1>}, {transform_indices = @transform_10, window_bounds = array<i64: 1, 4096>}, {pipeline_mode = #tpu.pipeline_mode<synchronous>, transform_indices = @transform_11, window_bounds = array<i64: 16, 1>}, {pipeline_mode = #tpu.pipeline_mode<synchronous>, transform_indices = @transform_12, window_bounds = array<i64: 16, 1>}, {pipeline_mode = #tpu.pipeline_mode<synchronous>, transform_indices = @transform_13, window_bounds = array<i64: 16, 64>}]} {
    %eq3A = arith.constant 0 : i32
    %eq3A_0 = arith.cmpi eq, %arg0, %eq3A : i32
    %convert_element_type3A = arith.extui %eq3A_0 : i1 to i32
    %cond3A = arith.constant 0 : i32
    %cond3A_1 = arith.cmpi ne, %convert_element_type3A, %cond3A : i32
    scf.if %cond3A_1 {
      %broadcast_in_dim3A_122 = arith.constant -1.000000e+30 : f32
      %broadcast_in_dim3A_123 = vector.broadcast %broadcast_in_dim3A_122 : f32 to vector<16x1xf32>
      %swap3A_124 = arith.constant 0 : index
      %swap3A_125 = arith.constant 0 : index
      %swap3A_126 = vector.load %arg16[%swap3A_124, %swap3A_125] : memref<16x1xf32, #tpu.memory_space<vmem>>, vector<16x1xf32>
      tpu.vector_store %arg16[%swap3A_124, %swap3A_125], %broadcast_in_dim3A_123 {strides = array<i32>} : memref<16x1xf32, #tpu.memory_space<vmem>>, vector<16x1xf32>,
      %broadcast_in_dim3A_127 = arith.constant 0.000000e+00 : f32
      %broadcast_in_dim3A_128 = vector.broadcast %broadcast_in_dim3A_127 : f32 to vector<16x1xf32>
      %swap3A_129 = arith.constant 0 : index
      %swap3A_130 = arith.constant 0 : index
      %swap3A_131 = vector.load %arg17[%swap3A_129, %swap3A_130] : memref<16x1xf32, #tpu.memory_space<vmem>>, vector<16x1xf32>
      tpu.vector_store %arg17[%swap3A_129, %swap3A_130], %broadcast_in_dim3A_128 {strides = array<i32>} : memref<16x1xf32, #tpu.memory_space<vmem>>, vector<16x1xf32>,
      %broadcast_in_dim3A_132 = arith.constant 0.000000e+00 : f32
      %broadcast_in_dim3A_133 = vector.broadcast %broadcast_in_dim3A_132 : f32 to vector<16x64xf32>
      %swap3A_134 = arith.constant 0 : index
      %swap3A_135 = arith.constant 0 : index
      %swap3A_136 = vector.load %arg15[%swap3A_134, %swap3A_135] : memref<16x64xf32, #tpu.memory_space<vmem>>, vector<16x64xf32>
      tpu.vector_store %arg15[%swap3A_134, %swap3A_135], %broadcast_in_dim3A_133 {strides = array<i32>} : memref<16x64xf32, #tpu.memory_space<vmem>>, vector<16x64xf32>,
    } else {
    }
    %get3A = arith.constant 0 : index
    %get3A_2 = arith.constant 0 : index
    %get3A_3 = vector.load %arg1[%get3A, %get3A_2] : memref<4096x64xbf16, #tpu.memory_space<vmem>>, vector<4096x64xbf16>
    %get3A_4 = arith.constant 0 : index
    %get3A_5 = arith.constant 0 : index
    %get3A_6 = vector.load %arg3[%get3A_4, %get3A_5] : memref<64x64xbf16, #tpu.memory_space<vmem>>, vector<64x64xbf16>
    %dot_general3A = arith.constant dense<0.000000e+00> : vector<4096x64xf32>
    %dot_general3A_7 = tpu.matmul %get3A_3, %get3A_6, %dot_general3A {dimension_numbers = #tpu.dot_dimension_numbers<[1], [0], [0], [1], [0, 0, 1, 1], [], []>, transpose_lhs_hint = false} : vector<4096x64xbf16>, vector<64x64xbf16>, vector<4096x64xf32> -> vector<4096x64xf32>
    %get3A_8 = arith.constant 0 : index
    %get3A_9 = arith.constant 0 : index
    %get3A_10 = vector.load %arg4[%get3A_8, %get3A_9] : memref<1x64xf32, #tpu.memory_space<vmem>>, vector<1x64xf32>
    %add3A = vector.broadcast %get3A_10 : vector<1x64xf32> to vector<4096x64xf32>
    %add3A_11 = arith.addf %dot_general3A_7, %add3A : vector<4096x64xf32>
    %max3A = arith.constant 0.000000e+00 : f32
    %max3A_12 = vector.broadcast %max3A : f32 to vector<4096x64xf32>
    %max3A_13 = arith.maximumf %add3A_11, %max3A_12 : vector<4096x64xf32>
    %convert_element_type3A_14 = arith.truncf %max3A_13 : vector<4096x64xf32> to vector<4096x64xbf16>
    %get3A_15 = arith.constant 0 : index
    %get3A_16 = arith.constant 0 : index
    %get3A_17 = vector.load %arg5[%get3A_15, %get3A_16] : memref<64x64xbf16, #tpu.memory_space<vmem>>, vector<64x64xbf16>
    %dot_general3A_18 = arith.constant dense<0.000000e+00> : vector<4096x64xf32>
    %dot_general3A_19 = tpu.matmul %convert_element_type3A_14, %get3A_17, %dot_general3A_18 {dimension_numbers = #tpu.dot_dimension_numbers<[1], [0], [0], [1], [0, 0, 1, 1], [], []>, transpose_lhs_hint = false} : vector<4096x64xbf16>, vector<64x64xbf16>, vector<4096x64xf32> -> vector<4096x64xf32>
    %get3A_20 = arith.constant 0 : index
    %get3A_21 = arith.constant 0 : index
    %get3A_22 = vector.load %arg6[%get3A_20, %get3A_21] : memref<1x64xf32, #tpu.memory_space<vmem>>, vector<1x64xf32>
    %add3A_23 = vector.broadcast %get3A_22 : vector<1x64xf32> to vector<4096x64xf32>
    %add3A_24 = arith.addf %dot_general3A_19, %add3A_23 : vector<4096x64xf32>
    %max3A_25 = arith.constant 0.000000e+00 : f32
    %max3A_26 = vector.broadcast %max3A_25 : f32 to vector<4096x64xf32>
    %max3A_27 = arith.maximumf %add3A_24, %max3A_26 : vector<4096x64xf32>
    %convert_element_type3A_28 = arith.truncf %max3A_27 : vector<4096x64xf32> to vector<4096x64xbf16>
    %get3A_29 = arith.constant 0 : index
    %get3A_30 = arith.constant 0 : index
    %get3A_31 = vector.load %arg7[%get3A_29, %get3A_30] : memref<64x64xbf16, #tpu.memory_space<vmem>>, vector<64x64xbf16>
    %dot_general3A_32 = arith.constant dense<0.000000e+00> : vector<4096x64xf32>
    %dot_general3A_33 = tpu.matmul %convert_element_type3A_28, %get3A_31, %dot_general3A_32 {dimension_numbers = #tpu.dot_dimension_numbers<[1], [0], [0], [1], [0, 0, 1, 1], [], []>, transpose_lhs_hint = false} : vector<4096x64xbf16>, vector<64x64xbf16>, vector<4096x64xf32> -> vector<4096x64xf32>
    %get3A_34 = arith.constant 0 : index
    %get3A_35 = arith.constant 0 : index
    %get3A_36 = vector.load %arg8[%get3A_34, %get3A_35] : memref<1x64xf32, #tpu.memory_space<vmem>>, vector<1x64xf32>
    %add3A_37 = vector.broadcast %get3A_36 : vector<1x64xf32> to vector<4096x64xf32>
    %add3A_38 = arith.addf %dot_general3A_33, %add3A_37 : vector<4096x64xf32>
    %convert_element_type3A_39 = arith.truncf %add3A_38 : vector<4096x64xf32> to vector<4096x64xbf16>
    %get3A_40 = arith.constant 0 : index
    %get3A_41 = arith.constant 0 : index
    %get3A_42 = vector.load %arg9[%get3A_40, %get3A_41] : memref<16x64xbf16, #tpu.memory_space<vmem>>, vector<16x64xbf16>
    %dot_general3A_43 = arith.constant dense<0.000000e+00> : vector<16x4096xf32>
    %dot_general3A_44 = tpu.matmul %get3A_42, %convert_element_type3A_28, %dot_general3A_43 {dimension_numbers = #tpu.dot_dimension_numbers<[1], [1], [0], [0], [0, 0, 1, 0], [], []>, transpose_lhs_hint = false} : vector<16x64xbf16>, vector<4096x64xbf16>, vector<16x4096xf32> -> vector<16x4096xf32>
    %get3A_45 = arith.constant 0 : index
    %get3A_46 = arith.constant 0 : index
    %get3A_47 = vector.load %arg10[%get3A_45, %get3A_46] : memref<16x1xf32, #tpu.memory_space<vmem>>, vector<16x1xf32>
    %add3A_48 = vector.broadcast %get3A_47 : vector<16x1xf32> to vector<16x4096xf32>
    %add3A_49 = arith.addf %dot_general3A_44, %add3A_48 : vector<16x4096xf32>
    %get3A_50 = arith.constant 0 : index
    %get3A_51 = arith.constant 0 : index
    %get3A_52 = vector.load %arg2[%get3A_50, %get3A_51] : memref<1x4096xi32, #tpu.memory_space<vmem>>, vector<1x4096xi32>
    %iota3A = tpu.iota {dimensions = array<i32: 0>} : vector<16x4096xi32>
    %eq3A_53 = vector.broadcast %get3A_52 : vector<1x4096xi32> to vector<16x4096xi32>
    %eq3A_54 = arith.cmpi eq, %eq3A_53, %iota3A : vector<16x4096xi32>
    %jit3A = arith.constant 0xFF800000 : f32
    %broadcast_in_dim3A = vector.broadcast %jit3A : f32 to vector<16x4096xf32>
    %select_n3A = arith.select %eq3A_54, %add3A_49, %broadcast_in_dim3A : vector<16x4096xi1>, vector<16x4096xf32>
    %jit3A_55 = arith.constant 0.000000e+00 : f32
    %broadcast_in_dim3A_56 = vector.broadcast %jit3A_55 : f32 to vector<16x4096xf32>
    %select_n3A_57 = arith.select %eq3A_54, %add3A_49, %broadcast_in_dim3A_56 : vector<16x4096xi1>, vector<16x4096xf32>
    %reduce_sum3A = arith.constant dense<0.000000e+00> : vector<4096xf32>
    %reduce_sum3A_58 = vector.multi_reduction <add>, %select_n3A_57, %reduce_sum3A [0] : vector<16x4096xf32> to vector<4096xf32>
    %broadcast_in_dim3A_59 = vector.shape_cast %reduce_sum3A_58 : vector<4096xf32> to vector<1x4096xf32>
    %swap3A = arith.constant 0 : index
    %swap3A_60 = arith.constant 0 : index
    %swap3A_61 = vector.load %arg11[%swap3A, %swap3A_60] : memref<1x4096xf32, #tpu.memory_space<vmem>>, vector<1x4096xf32>
    tpu.vector_store %arg11[%swap3A, %swap3A_60], %broadcast_in_dim3A_59 {strides = array<i32>} : memref<1x4096xf32, #tpu.memory_space<vmem>>, vector<1x4096xf32>,
    %reduce_max3A = arith.constant dense<0xFF800000> : vector<16xf32>
    %reduce_max3A_62 = vector.multi_reduction <maximumf>, %select_n3A, %reduce_max3A [1] : vector<16x4096xf32> to vector<16xf32>
    %broadcast_in_dim3A_63 = vector.shape_cast %reduce_max3A_62 : vector<16xf32> to vector<16x1xf32>
    %get3A_64 = arith.constant 0 : index
    %get3A_65 = arith.constant 0 : index
    %get3A_66 = vector.load %arg16[%get3A_64, %get3A_65] : memref<16x1xf32, #tpu.memory_space<vmem>>, vector<16x1xf32>
    %max3A_67 = arith.maximumf %get3A_66, %broadcast_in_dim3A_63 : vector<16x1xf32>
    %sub3A = arith.subf %get3A_66, %max3A_67 : vector<16x1xf32>
    %exp3A = math.exp %sub3A : vector<16x1xf32>
    %swap3A_68 = arith.constant 0 : index
    %swap3A_69 = arith.constant 0 : index
    %swap3A_70 = vector.load %arg16[%swap3A_68, %swap3A_69] : memref<16x1xf32, #tpu.memory_space<vmem>>, vector<16x1xf32>
    tpu.vector_store %arg16[%swap3A_68, %swap3A_69], %max3A_67 {strides = array<i32>} : memref<16x1xf32, #tpu.memory_space<vmem>>, vector<16x1xf32>,
    %sub3A_71 = vector.broadcast %max3A_67 : vector<16x1xf32> to vector<16x4096xf32>
    %sub3A_72 = arith.subf %select_n3A, %sub3A_71 : vector<16x4096xf32>
    %exp3A_73 = math.exp %sub3A_72 : vector<16x4096xf32>
    %get3A_74 = arith.constant 0 : index
    %get3A_75 = arith.constant 0 : index
    %get3A_76 = vector.load %arg17[%get3A_74, %get3A_75] : memref<16x1xf32, #tpu.memory_space<vmem>>, vector<16x1xf32>
    %mul3A = arith.mulf %get3A_76, %exp3A : vector<16x1xf32>
    %reduce_sum3A_77 = arith.constant dense<0.000000e+00> : vector<16xf32>
    %reduce_sum3A_78 = vector.multi_reduction <add>, %exp3A_73, %reduce_sum3A_77 [1] : vector<16x4096xf32> to vector<16xf32>
    %broadcast_in_dim3A_79 = vector.shape_cast %reduce_sum3A_78 : vector<16xf32> to vector<16x1xf32>
    %add3A_80 = arith.addf %mul3A, %broadcast_in_dim3A_79 : vector<16x1xf32>
    %swap3A_81 = arith.constant 0 : index
    %swap3A_82 = arith.constant 0 : index
    %swap3A_83 = vector.load %arg17[%swap3A_81, %swap3A_82] : memref<16x1xf32, #tpu.memory_space<vmem>>, vector<16x1xf32>
    tpu.vector_store %arg17[%swap3A_81, %swap3A_82], %add3A_80 {strides = array<i32>} : memref<16x1xf32, #tpu.memory_space<vmem>>, vector<16x1xf32>,
    %get3A_84 = arith.constant 0 : index
    %get3A_85 = arith.constant 0 : index
    %get3A_86 = vector.load %arg15[%get3A_84, %get3A_85] : memref<16x64xf32, #tpu.memory_space<vmem>>, vector<16x64xf32>
    %mul3A_87 = vector.broadcast %exp3A : vector<16x1xf32> to vector<16x64xf32>
    %mul3A_88 = arith.mulf %get3A_86, %mul3A_87 : vector<16x64xf32>
    %convert_element_type3A_89 = arith.truncf %exp3A_73 : vector<16x4096xf32> to vector<16x4096xbf16>
    %dot_general3A_90 = arith.constant dense<0.000000e+00> : vector<16x64xf32>
    %dot_general3A_91 = tpu.matmul %convert_element_type3A_89, %convert_element_type3A_39, %dot_general3A_90 {dimension_numbers = #tpu.dot_dimension_numbers<[1], [0], [0], [1], [0, 0, 1, 1], [], []>, transpose_lhs_hint = false} : vector<16x4096xbf16>, vector<4096x64xbf16>, vector<16x64xf32> -> vector<16x64xf32>
    %add3A_92 = arith.addf %mul3A_88, %dot_general3A_91 : vector<16x64xf32>
    %swap3A_93 = arith.constant 0 : index
    %swap3A_94 = arith.constant 0 : index
    %swap3A_95 = vector.load %arg15[%swap3A_93, %swap3A_94] : memref<16x64xf32, #tpu.memory_space<vmem>>, vector<16x64xf32>
    tpu.vector_store %arg15[%swap3A_93, %swap3A_94], %add3A_92 {strides = array<i32>} : memref<16x64xf32, #tpu.memory_space<vmem>>, vector<16x64xf32>,
    %get3A_96 = arith.constant 0 : index
    %get3A_97 = arith.constant 0 : index
    %get3A_98 = vector.load %arg17[%get3A_96, %get3A_97] : memref<16x1xf32, #tpu.memory_space<vmem>>, vector<16x1xf32>
    %get3A_99 = arith.constant 0 : index
    %get3A_100 = arith.constant 0 : index
    %get3A_101 = vector.load %arg16[%get3A_99, %get3A_100] : memref<16x1xf32, #tpu.memory_space<vmem>>, vector<16x1xf32>
    %swap3A_102 = arith.constant 0 : index
    %swap3A_103 = arith.constant 0 : index
    %swap3A_104 = vector.load %arg12[%swap3A_102, %swap3A_103] : memref<16x1xf32, #tpu.memory_space<vmem>>, vector<16x1xf32>
    tpu.vector_store %arg12[%swap3A_102, %swap3A_103], %get3A_101 {strides = array<i32>} : memref<16x1xf32, #tpu.memory_space<vmem>>, vector<16x1xf32>,
    %swap3A_105 = arith.constant 0 : index
    %swap3A_106 = arith.constant 0 : index
    %swap3A_107 = vector.load %arg13[%swap3A_105, %swap3A_106] : memref<16x1xf32, #tpu.memory_space<vmem>>, vector<16x1xf32>
    tpu.vector_store %arg13[%swap3A_105, %swap3A_106], %get3A_98 {strides = array<i32>} : memref<16x1xf32, #tpu.memory_space<vmem>>, vector<16x1xf32>,
    %gt3A = arith.constant 0.000000e+00 : f32
    %gt3A_108 = vector.broadcast %gt3A : f32 to vector<16x1xf32>
    %gt3A_109 = arith.cmpf ogt, %get3A_98, %gt3A_108 : vector<16x1xf32>
    %get3A_110 = arith.constant 0 : index
    %get3A_111 = arith.constant 0 : index
    %get3A_112 = vector.load %arg15[%get3A_110, %get3A_111] : memref<16x64xf32, #tpu.memory_space<vmem>>, vector<16x64xf32>
    %div3A = vector.broadcast %get3A_98 : vector<16x1xf32> to vector<16x64xf32>
    %div3A_113 = arith.divf %get3A_112, %div3A : vector<16x64xf32>
    %jit3A_114 = arith.constant 0.000000e+00 : f32
    %broadcast_in_dim3A_115 = vector.shape_cast %gt3A_109 : vector<16x1xi1> to vector<16x1xi1>
    %broadcast_in_dim3A_116 = vector.broadcast %broadcast_in_dim3A_115 : vector<16x1xi1> to vector<16x64xi1>
    %broadcast_in_dim3A_117 = vector.broadcast %jit3A_114 : f32 to vector<16x64xf32>
    %select_n3A_118 = arith.select %broadcast_in_dim3A_116, %div3A_113, %broadcast_in_dim3A_117 : vector<16x64xi1>, vector<16x64xf32>
    %swap3A_119 = arith.constant 0 : index
    %swap3A_120 = arith.constant 0 : index
    %swap3A_121 = vector.load %arg14[%swap3A_119, %swap3A_120] : memref<16x64xf32, #tpu.memory_space<vmem>>, vector<16x64xf32>
    tpu.vector_store %arg14[%swap3A_119, %swap3A_120], %select_n3A_118 {strides = array<i32>} : memref<16x64xf32, #tpu.memory_space<vmem>>, vector<16x64xf32>,
    return
  }
  func.func @transform_0(%arg0: i32) -> (i32, i32) {
    %c0_i32 = arith.constant 0 : i32
    %c0_i32_0 = arith.constant 0 : i32
    return %arg0, %c0_i32 : i32, i32
  }
  func.func @transform_1(%arg0: i32) -> (i32, i32) {
    %c0_i32 = arith.constant 0 : i32
    %c0_i32_0 = arith.constant 0 : i32
    return %c0_i32, %arg0 : i32, i32
  }
  func.func @transform_2(%arg0: i32) -> (i32, i32) {
    %c0_i32 = arith.constant 0 : i32
    %c0_i32_0 = arith.constant 0 : i32
    %c0_i32_1 = arith.constant 0 : i32
    return %c0_i32, %c0_i32_0 : i32, i32
  }
  func.func @transform_3(%arg0: i32) -> (i32, i32) {
    %c0_i32 = arith.constant 0 : i32
    %c0_i32_0 = arith.constant 0 : i32
    %c0_i32_1 = arith.constant 0 : i32
    return %c0_i32, %c0_i32_0 : i32, i32
  }
  func.func @transform_4(%arg0: i32) -> (i32, i32) {
    %c0_i32 = arith.constant 0 : i32
    %c0_i32_0 = arith.constant 0 : i32
    %c0_i32_1 = arith.constant 0 : i32
    return %c0_i32, %c0_i32_0 : i32, i32
  }
  func.func @transform_5(%arg0: i32) -> (i32, i32) {
    %c0_i32 = arith.constant 0 : i32
    %c0_i32_0 = arith.constant 0 : i32
    %c0_i32_1 = arith.constant 0 : i32
    return %c0_i32, %c0_i32_0 : i32, i32
  }
  func.func @transform_6(%arg0: i32) -> (i32, i32) {
    %c0_i32 = arith.constant 0 : i32
    %c0_i32_0 = arith.constant 0 : i32
    %c0_i32_1 = arith.constant 0 : i32
    return %c0_i32, %c0_i32_0 : i32, i32
  }
  func.func @transform_7(%arg0: i32) -> (i32, i32) {
    %c0_i32 = arith.constant 0 : i32
    %c0_i32_0 = arith.constant 0 : i32
    %c0_i32_1 = arith.constant 0 : i32
    return %c0_i32, %c0_i32_0 : i32, i32
  }
  func.func @transform_8(%arg0: i32) -> (i32, i32) {
    %c0_i32 = arith.constant 0 : i32
    %c0_i32_0 = arith.constant 0 : i32
    %c0_i32_1 = arith.constant 0 : i32
    return %c0_i32, %c0_i32_0 : i32, i32
  }
  func.func @transform_9(%arg0: i32) -> (i32, i32) {
    %c0_i32 = arith.constant 0 : i32
    %c0_i32_0 = arith.constant 0 : i32
    %c0_i32_1 = arith.constant 0 : i32
    return %c0_i32, %c0_i32_0 : i32, i32
  }
  func.func @transform_10(%arg0: i32) -> (i32, i32) {
    %c0_i32 = arith.constant 0 : i32
    %c0_i32_0 = arith.constant 0 : i32
    return %c0_i32, %arg0 : i32, i32
  }
  func.func @transform_11(%arg0: i32) -> (i32, i32) {
    %c0_i32 = arith.constant 0 : i32
    %c0_i32_0 = arith.constant 0 : i32
    %c0_i32_1 = arith.constant 0 : i32
    return %c0_i32, %c0_i32_0 : i32, i32
  }
  func.func @transform_12(%arg0: i32) -> (i32, i32) {
    %c0_i32 = arith.constant 0 : i32
    %c0_i32_0 = arith.constant 0 : i32
    %c0_i32_1 = arith.constant 0 : i32
    return %c0_i32, %c0_i32_0 : i32, i32
  }
  func.func @transform_13(%arg0: i32) -> (i32, i32) {
    %c0_i32 = arith.constant 0 : i32
    %c0_i32_0 = arith.constant 0 : i32
    %c0_i32_1 = arith.constant 0 : i32
    return %c0_i32, %c0_i32_0 : i32, i32
  }
}

</mosaic_0001>

<sc_bundles>
// kernel: kernel.5.cloned.1.call-start
scs
__scs_entry_jumppad:
0x0: {  	(pc) =	sbr.rel $0x88, $3  }
0x1: {  	(tag) =	ssettag $0x0;
	lr =	simm.s32 $0x1  }
0x2: {  	[smem:$0x3F96] =	sst lr;
	_ =	strace $0xD0000000  }
0x3: {  	_ = 	snop  }
0x4: {  	_ = 	snop  }
0x5: {  	_ = 	snop  }
0x6: {  	_ = 	snop  }
0x7: {  	_ = 	snop  }
__scs_overlays_trampoline_lowered:
0x8: {  	[smem:$0x3FA5] =	sst s0  }
0x9: {  	[smem:$0x3FA6] =	sst s1  }
0xa: {  	[smem:$0x3FA7] =	sst s2  }
0xb: {  	[smem:$0x3FA8] =	sst s3  }
0xc: {  	[smem:$0x3FA9] =	sst s4  }
0xd: {  	[smem:$0x3FAA] =	sst s5  }
0xe: {  	[smem:$0x3FAB] =	sst s6  }
0xf: {  	[smem:$0x3FAC] =	sst s7  }
0x10: {  	[smem:$0x3FAD] =	sst s8  }
0x11: {  	[smem:$0x3FAE] =	sst s9;
	s0 =	simm.s32 @!p0 $0x0  }
0x12: {  	s1 =	sld [smem:$0x3F94];
	s0 =	simm.s32 @p0 $0x1  }
0x13: {  	[smem:$0x3FAF] =	sst s0;
	s0 =	simm.s32 @!p1 $0x0  }
0x14: {  	s2 =	sld [smem:$0x3F93];
	s0 =	simm.s32 @p1 $0x1  }
0x15: {  	[smem:$0x3FB0] =	sst s0;
	s0 =	simm.s32 @!p2 $0x0  }
0x16: {  	s3 =	sld [smem:$0x3FDB];
	s0 =	simm.s32 @p2 $0x1  }
0x17: {  	s4 =	simm.s32 $0x1BF5;
	[smem:$0x3FB2] =	sst s0  }
0x18: {  	s0 =	sld [smem:$0x3F95];
	_ =	swait.ge [sflag:s4], $0x0  }
0x19: {  	s7 =	sld [smem:$0x3F96]  }
0x1a: {  	s8 =	sadd.s32 $0xFFFFE003, lr  }
0x1b: {  	s9 =	sadd.s32 $0xFFFFFEF7, lr;
	s5 =	simm.s32 $0xFFFFFFFF;
	p2 =	slt.u32 s8, $0xFFFFF086  }
0x1c: {  	p1 =	slt.u32 s9, $0xF7A;
	s5 =	simm.s32 @!p2 $0x0  }
0x1d: {  	s5 =	simm.s32 @p1 $0x1;
	p0 =	seq.s32 s7, s2  }
0x1e: {  	s7 =	smul.u32 @!p0 $0xF7A, s2;
	p2 =	seq.s32 @!p0 s5, $0x0  }
0x1f: {  	s9 =	smul.u32 $0xF7A, s1;
	s8 =	simm.s32 @!p0 $0x1BF5;
	p2 =	por !p2, p0  }
0x20: {  	[sflag:s8] =	ssyncset.s32 @!p0 $0xFFFFF086;
	s6 =	sadd.s32 @!p0 s3, s7;
	s7 =	simm.s32 @!p0 $0x108  }
0x21: {  	s3 =	sadd.s32 s3, s9;
	s6 =	sadd.s32 @!p0 $0x88, s6;
	s7 =	simm.s32 @p2 $0x1082  }
0x22: {  	[simem:s7], [sflag:s8] =	dma.local @!p0 [hbm:s6], $0xF7A  }
0x23: {  	s9 =	sor.u32 $0xD0000000, s2;
	s6 =	simm.s32 $0x108;
	_ =	swait.ge @!p0 [sflag:s8], $0x0  }
0x24: {  	s3 =	sadd.s32 $0x88, s3;
	s6 =	simm.s32 @!p1 $0x1082;
	[sflag:s4] =	ssyncset.s32 $0xFFFFF086  }
0x25: {  	[simem:s6], [sflag:s4] =	dma.local [hbm:s3], $0xF7A  }
0x26: {  	[smem:$0x3F96] =	sst s1;
	(tag) =	ssettag s2;
	_ =	strace s9  }
0x27: {  	s1 =	sld [smem:$0x3FA6]  }
0x28: {  	s2 =	sld [smem:$0x3FA7]  }
0x29: {  	s4 =	sld [smem:$0x3FA9]  }
0x2a: {  	p0 =	seq.s32 s5, $0x0;
	s5 =	sld [smem:$0x3FAA]  }
0x2b: {  	s6 =	sld [smem:$0x3FAB]  }
0x2c: {  	s7 =	sld [smem:$0x3FAC]  }
0x2d: {  	s3 =	simm.s32 $0x108;
	s8 =	sld [smem:$0x3FAD]  }
0x2e: {  	s3 =	simm.s32 @!p0 $0x1082;
	s9 =	sld [smem:$0x3FAE]  }
0x2f: {  	lr =	sadd.s32 s0, s3;
	s0 =	sld [smem:$0x3FA5]  }
0x30: {  	s3 =	sld [smem:$0x3FA8]  }
0x31: {  	[smem:$0x3FB1] =	sst s10  }
0x32: {  	s10 =	sld [smem:$0x3FAF];
	_ =	sdelay $0x3  }
0x33: {  	p0 =	seq.s32 s10, $0x1;
	s10 =	sld [smem:$0x3FB1];
	_ =	sdelay $0x3  }
0x34: {  	[smem:$0x3FB1] =	sst s10  }
0x35: {  	s10 =	sld [smem:$0x3FB0];
	_ =	sdelay $0x3  }
0x36: {  	p1 =	seq.s32 s10, $0x1;
	s10 =	sld [smem:$0x3FB1];
	_ =	sdelay $0x3  }
0x37: {  	[smem:$0x3FB1] =	sst s10  }
0x38: {  	s10 =	sld [smem:$0x3FB2]  }
0x39: {  	_ = 	snop;
	(pc) =	sbr.ind lr, $3  }
0x3a: {  	_ = 	snop  }
0x3b: {  	_ = 	snop  }
0x3c: {  	p2 =	seq.s32 s10, $0x1;
	s10 =	sld [smem:$0x3FB1]  }
0x3d: {  	_ =	shalt  }
0x3e: {  	_ =	shalt  }
0x3f: {  	_ =	shalt  }
0x40: {  	_ =	shalt  }
0x41: {  	_ =	shalt  }
0x42: {  	_ =	shalt  }
0x43: {  	_ =	shalt  }
0x44: {  	_ =	shalt  }
0x45: {  	_ =	shalt  }
0x46: {  	_ =	shalt  }
0x47: {  	_ =	shalt  }
0x48: {  	_ =	shalt  }
0x49: {  	_ =	shalt  }
0x4a: {  	_ =	shalt  }
0x4b: {  	_ =	shalt  }
0x4c: {  	_ =	shalt  }
0x4d: {  	_ =	shalt  }
0x4e: {  	_ =	shalt  }
0x4f: {  	_ =	shalt  }
0x50: {  	_ =	shalt  }
0x51: {  	_ =	shalt  }
0x52: {  	_ =	shalt  }
0x53: {  	_ =	shalt  }
0x54: {  	_ =	shalt  }
0x55: {  	_ =	shalt  }
0x56: {  	_ =	shalt  }
0x57: {  	_ =	shalt  }
0x58: {  	_ =	shalt  }
0x59: {  	_ =	shalt  }
0x5a: {  	_ =	shalt  }
0x5b: {  	_ =	shalt  }
0x5c: {  	_ =	shalt  }
0x5d: {  	_ =	shalt  }
0x5e: {  	_ =	shalt  }
0x5f: {  	_ =	shalt  }
0x60: {  	_ =	shalt  }
0x61: {  	_ =	shalt  }
0x62: {  	_ =	shalt  }
0x63: {  	_ =	shalt  }
0x64: {  	_ =	shalt  }
0x65: {  	_ =	shalt  }
0x66: {  	_ =	shalt  }
0x67: {  	_ =	shalt  }
0x68: {  	_ =	shalt  }
0x69: {  	_ =	shalt  }
0x6a: {  	_ =	shalt  }
0x6b: {  	_ =	shalt  }
0x6c: {  	_ =	shalt  }
0x6d: {  	_ =	shalt  }
0x6e: {  	_ =	shalt  }
0x6f: {  	_ =	shalt  }
0x70: {  	_ =	shalt  }
0x71: {  	_ =	shalt  }
0x72: {  	_ =	shalt  }
0x73: {  	_ =	shalt  }
0x74: {  	_ =	shalt  }
0x75: {  	_ =	shalt  }
0x76: {  	_ =	shalt  }
0x77: {  	_ =	shalt  }
0x78: {  	_ =	shalt  }
0x79: {  	_ =	shalt  }
0x7a: {  	_ =	shalt  }
0x7b: {  	_ =	shalt  }
0x7c: {  	_ =	shalt  }
0x7d: {  	_ =	shalt  }
0x7e: {  	_ =	shalt  }
0x7f: {  	_ =	shalt  }
0x80: {  	_ =	shalt  }
0x81: {  	_ =	shalt  }
0x82: {  	_ =	shalt  }
0x83: {  	_ =	shalt  }
0x84: {  	_ =	shalt  }
0x85: {  	_ =	shalt  }
0x86: {  	_ =	shalt  }
0x87: {  	_ =	shalt  }
.Lfunc_end0:
.L_simem_size_0:
called_computation_lowered:
.L_overlay_start_0:
0x88: {  	s2 =	sld [smem:$0x3FD9]  }
0x89: {  	s3 =	sld [smem:$0x3FFE];
	_ =	sdelay $0x1  }
0x8a: {  	s1 =	srdreg.scid  }
0x8b: {  	s0 =	sand.u32 $0x1, s1  }
0x8c: {  	s14 =	sshll.u32 s0, $0xA;
	s2 =	sadd.s32 s3, s2  }
0x8d: {  	s2 =	sadd.s32 s2, s14  }
0x8e: {  	[smem:$0x3FBD] =	sst s2  }
0x8f: {  	_ = 	snop  }
0x90: {  	s2 =	sld [smem:$0x3FD0];
	_ =	sdelay $0x2  }
0x91: {  	s4 =	simm.s32 $0xA;
	s5 =	simm.s32 $0x10;
	s15 =	sld [smem:$0x3FC7]  }
0x92: {  	[smem:s5], [sflag:s4] =	dma.local [hbm:s2], $0x1  }
0x93: {  	_ =	swait.eq [sflag:s4], $0x1  }
0x94: {  	[sflag:s4] =	ssyncset.done $0x0  }
0x95: {  	[sflag:s4] =	ssyncadd.s32 $0xFFFFFFFF  }
0x96: {  	s16 =	sld [smem:$0x11];
	(tm) =	ssettm $0x1  }
0x97: {  	s17 =	sld [smem:$0x3FFB];
	_ =	sdelay $0x3  }
0x98: {  	_ =	strace s17  }
0x99: {  	s4 =	sld [smem:$0x3FFC];
	_ =	sdelay $0x3  }
0x9a: {  	_ =	strace s4  }
0x9b: {  	s4 =	sld [smem:$0x3FFD];
	_ =	sdelay $0x3  }
0x9c: {  	_ =	strace s4  }
0x9d: {  	_ =	strace $0x8FFFFFFF  }
0x9e: {  	s18 =	sld [smem:$0x3FDB];
	_ =	sdelay $0x1  }
0x9f: {  	s19 =	simm.s32 $_scs_section_size  }
0xa0: {  	s6 =	simm.s32 $_size__tile_overlayer_lowered;
	s7 =	simm.s32 $_tile_overlayer_lowered  }
0xa1: {  	s22 =	simm.s32 $0x1BFF;
	s21 =	sshll.u32 s7, $0x1;
	s4 =	sadd.s32 s19, s18  }
0xa2: {  	s8 =	simm.s32 $0x0;
	s20 =	sshll.u32 s6, $0x1;
	s6 =	sadd.s32 s21, s4  }
0xa3: {  	[timem:s8], [sflag:s22] =	dma.local [hbm:s6], s20  }
0xa4: {  	_ =	swait.ge [sflag:s22], s20  }
0xa5: {  	s5 =	ssub.s32 $0x0, s20;
	[sflag:s22] =	ssyncset.done $0x0  }
0xa6: {  	[sflag:s22] =	ssyncadd.s32 s5;
	_ =	sdelay $0x1  }
0xa7: {  	s23 =	simm.s32 $0x1B8B  }
0xa8: {  	_ =	swait.ge [sflag:s23], $0x1  }
0xa9: {  	[sflag:s23] =	ssyncset.done $0x0  }
0xaa: {  	s25 =	simm.s32 $0x1B8E;
	s24 =	sld [smem:$0x3FFE];
	[sflag:s23] =	ssyncadd.s32 $0xFFFFFFFF  }
0xab: {  	s26 =	simm.s32 $execute0_lowered;
	[smem:$0x3FD2] =	sst s25  }
0xac: {  	s6 =	sshll.u32 s26, $0x1;
	_ =	strace $0x80000046;
	[dreg:$0x1] =	wrdreg $0xFFFFFFFF  }
0xad: {  	s28 =	simm.s32 $_size_execute0_lowered;
	s4 =	sadd.s32 s4, s6;
	[dreg:$0x0] =	wrdreg $0x0  }
0xae: {  	s6 =	sshll.u32 s28, $0x1;
	[dreg:$0x2] =	wrdreg s4  }
0xaf: {  	[dreg:$0x3] =	wrdreg s6  }
0xb0: {  	[dreg:$0x4] =	wrdreg $0xC0  }
0xb1: {  	_ =	task [dreg:s8], $0x5FFFF  }
0xb2: {  	[dreg:$0x1] =	wrdreg $0xFFFFFFFF  }
0xb3: {  	[dreg:$0x0] =	wrdreg $0x60  }
0xb4: {  	[dreg:$0x2] =	wrdreg s24  }
0xb5: {  	[dreg:$0x3] =	wrdreg s15  }
0xb6: {  	[dreg:$0x4] =	wrdreg s16  }
0xb7: {  	[dreg:$0x5] =	wrdreg $0x9  }
0xb8: {  	_ =	task.clear_ibuf [dreg:s8], $0x6FFFF;
	_ =	strace $0x90000046  }
0xb9: {  	s29 =	simm.s32 $0x9;
	_ =	strace $0x80000048  }
0xba: {  	_ =	swait.ge [sflag:s29], $0x1  }
0xbb: {  	[sflag:s29] =	ssyncadd.s32 $0xFFFFFFFF  }
0xbc: {  	_ =	strace $0x90000048  }
0xbd: {  	_ =	sfence  }
0xbe: {  	s30 =	sld [smem:$0x0];
	_ =	sdelay $0x2  }
0xbf: {  	s31 =	sshll.u32 s1, $0xD;
	s1 =	sshrl.u32 s1, $0x2  }
0xc0: {  	s3 =	sand.u32 $0x4000, s31;
	s1 =	sadd.s32 s1, s30  }
0xc1: {  	s0 =	sor.u32 s3, s0;
	s1 =	sshll.u32 s1, $0x11  }
0xc2: {  	s0 =	sor.u32 s1, s0  }
0xc3: {  	s0 =	sadd.s32 $0x8F2B, s0  }
0xc4: {  	[sflag:s0] =	ssyncadd.remote.s32 $0x1  }
0xc5: {  	_ =	sfence.sel $0xFFFF  }
0xc6: {  	[dreg:$0x0] =	wrdreg $0xFFFFFFFF;
	(pc) =	sbr.abs _section_cstart, $3  }
0xc7: {  	[dreg:$0x1] =	wrdreg $0xFFFFFFFF  }
0xc8: {  	_ =	task.clear_ibuf [dreg:s8], $0x2FFFF;
	_ =	strace $0x9FFFFFFF  }
0xc9: {  	(tm) =	ssettm $0x7FFFFFFF  }
tec
execute0_lowered:
.L_overlay_start_1:
0x0: {  	(tag) =	ssettag $0x1  }
0x1: {  	s4 =	rddreg [dreg:$0x0]  }
0x2: {  	s6 =	rddreg [dreg:$0x1]  }
0x3: {  	s7 =	rddreg [dreg:$0x2]  }
0x4: {  	s0 =	rddreg [dreg:$0x3];
	s3 =	srdreg.scid  }
0x5: {  	s2 =	simm.s32 $0x0;
	s1 =	stileid.u32;
	s11 =	simm.s32 $0x800  }
0x6: {  	s12 =	simm.s32 $0x880;
	s13 =	simm.s32 $0x900;
	s14 =	simm.s32 $0x0  }
0x7: {  	s3 =	sand.u32 $0x1, s3;
	[smem:$0x7FF] =	sst s2;
	s5 =	sshll.u32 s1, $0x8  }
0x8: {  	s8 =	sshll.u32 s3, $0x7;
	_ =	strace $0x80000047;
	s31 =	ssub.s32 $0x2, s3  }
0x9: {  	s3 =	sadd.s32 $0x2600, s4;
	s8 =	sor.u32 s8, s5;
	s10 =	sshrl.u32 s31, $0x1  }
0xa: {  	s9 =	sadd.s32 s8, s4;
	s4 =	sadd.s32 $0x2800, s4;
	s10 =	ssub.s32 s31, s10  }
0xb: {  	s6 =	sadd.s32 s6, s8;
	s7 =	sadd.s32 s7, s8;
	s5 =	sadd.s32 $0x1600, s9  }
0xc: {  	s8 =	smax.u32 s10, $0x1;
	s9 =	simm.s32 $0x1;
	s10 =	simm.s32 $0x400  }
.LBB2_1:
0xd: {  	[tilespmem:s2], [sflag:$0x1] =	stream.linear.gather [hbm4b:s5+s2], $0x400, $0x38;
	[tilespmem:$0xD00] =	vst v63  }
0xe: {  	_ =	swait.ge [sflag:s9], $0x400  }
0xf: {  	[sflag:s9] =	ssyncset.done $0x0  }
0x10: {  	[sflag:s9] =	ssyncadd.s32 $0xFFFFFC00  }
0x11: {  	[tilespmem:s10], [sflag:$0x1] =	stream.linear.gather [hbm4b:s6+s2], $0x400, $0x38;
	[tilespmem:$0xD00] =	vst v63  }
0x12: {  	_ =	swait.ge [sflag:s9], $0x400  }
0x13: {  	[sflag:s9] =	ssyncset.done $0x0  }
0x14: {  	[sflag:s9] =	ssyncadd.s32 $0xFFFFFC00  }
0x15: {  	[tilespmem:s11], [sflag:$0x1] =	stream.linear.gather [hbm4b:s3+s2], $0x80, $0x38;
	[tilespmem:$0xD00] =	vst v63  }
0x16: {  	_ =	swait.ge [sflag:s9], $0x80  }
0x17: {  	[sflag:s9] =	ssyncset.done $0x0  }
0x18: {  	[sflag:s9] =	ssyncadd.s32 $0xFFFFFF80  }
0x19: {  	[tilespmem:s12], [sflag:$0x1] =	stream.linear.gather [hbm4b:s4+s2], $0x80, $0x38;
	[tilespmem:$0xD00] =	vst v63  }
0x1a: {  	_ =	swait.ge [sflag:s9], $0x80  }
0x1b: {  	[sflag:s9] =	ssyncset.done $0x0  }
0x1c: {  	s15 =	simm.s32 $0x0;
	[sflag:s9] =	ssyncadd.s32 $0xFFFFFF80  }
0x1d: {  	v2 =	vld [tilespmem:s15+$0x400]  }
0x1e: {  	v1 =	vld [tilespmem:$0x800];
	_ =	sdelay $0x1  }
0x1f: {  	v3 =	vld [tilespmem:s15+$0x0]  }
0x20: {  	v0 =	vld [tilespmem:$0x880]  }
0x21: {  	v2 =	vand.u32 $0xF, v2  }
0x22: {  	v4 =	vperm.xlane v1, v2  }
0x23: {  	s16 =	simm.s32 $0x10  }
0x24: {  	v3 =	vsub.f32 v3, v4;
	v4 =	vld [tilespmem:s16+$0x400]  }
0x25: {  	v2 =	vperm.xlane v0, v2;
	_ =	sdelay $0x1  }
0x26: {  	s17 =	simm.s32 $0x20;
	v5 =	vld [tilespmem:s16+$0x0];
	(erf) = vrcp.f32 v2;
	v3 =	vmul.f32 $1.442695020e+00, v3  }
0x27: {  	v2 =	vld [tilespmem:s17+$0x400]  }
0x28: {  	(erf) = vpow2.f32 v3;
	v3 =	vand.u32 $0xF, v4  }
0x29: {  	v4 =	vperm.xlane v1, v3;
	_ =	sdelay $0x1  }
0x2a: {  	v4 =	vsub.f32 v5, v4  }
0x2b: {  	v6 =	vld [tilespmem:s17+$0x0];
	v5 =	vand.u32 $0xF, v2;
	v2 =	vperm.xlane v0, v3  }
0x2c: {  	v4 =	vmul.f32 $1.442695020e+00, v4  }
0x2d: {  	s18 =	simm.s32 $0x30;
	(erf) = vrcp.f32 v2  }
0x2e: {  	v3 =	vperm.xlane v1, v5;
	v7 =	vpop (erf);
	v2 =	vld [tilespmem:s18+$0x400];
	(erf) = vpow2.f32 v4;
	_ =	sdelay $0x1  }
0x2f: {  	v6 =	vsub.f32 v6, v3  }
0x30: {  	v5 =	vperm.xlane v0, v5;
	v3 =	vld [tilespmem:s18+$0x0];
	v4 =	vpop (erf)  }
0x31: {  	s19 =	simm.s32 $0x100;
	v6 =	vmul.f32 $1.442695020e+00, v6;
	v4 =	vmul.f32 v4, v7  }
.LBB2_2:
0x32: {  	s20 =	sshra.s32 s19, $0x2;
	p0 =	sne.s32 s19, $0xFC0;
	s19 =	sadd.s32 $0x40, s19;
	v7 =	vand.u32 $0xF, v2;
	(erf) = vrcp.f32 v5  }
.Ltmp0:
0x33: {  	v2 =	vld [tilespmem:s20+$0x400];
	v5 =	vperm.xlane v1, v7;
	(erf) = vpow2.f32 v6;
	[tilespmem:s15+$0x900] =	vst v4;
	s15 =	smov.u32 s16;
	s16 =	smov.u32 s17;
	(pc) =	sbr.rel @p0 .LBB2_2-.Ltmp0, $4  }
0x34: {  	s17 =	smov.u32 s18;
	s18 =	smov.u32 s20  }
0x35: {  	v4 =	vsub.f32 v3, v5;
	v8 =	vpop (erf)  }
0x36: {  	v5 =	vperm.xlane v0, v7;
	v3 =	vld [tilespmem:s18+$0x0];
	v7 =	vpop (erf)  }
0x37: {  	v6 =	vmul.f32 $1.442695020e+00, v4;
	v4 =	vmul.f32 v7, v8  }
0x38: {  	v2 =	vand.u32 $0xF, v2  }
0x39: {  	v1 =	vperm.xlane v1, v2;
	_ =	sdelay $0x1  }
0x3a: {  	v1 =	vsub.f32 v3, v1  }
0x3b: {  	(erf) = vrcp.f32 v5;
	v0 =	vperm.xlane v0, v2  }
0x3c: {  	(erf) = vpow2.f32 v6;
	v1 =	vmul.f32 $1.442695020e+00, v1  }
0x3d: {  	(erf) = vrcp.f32 v0  }
0x3e: {  	(erf) = vpow2.f32 v1;
	_ =	sdelay $0x3  }
0x3f: {  	v57 =	vpop (erf)  }
0x40: {  	v58 =	vpop (erf)  }
0x41: {  	v59 =	vpop (erf)  }
0x42: {  	v60 =	vpop (erf)  }
0x43: {  	v0 =	vmul.f32 v58, v57;
	v61 =	vpop (erf)  }
0x44: {  	[tilespmem:s15+$0x900] =	vst v4;
	v2 =	vmul.f32 v60, v59;
	v62 =	vpop (erf)  }
0x45: {  	s14 =	sadd.s32 $0x1, s14;
	[tilespmem:s16+$0x900] =	vst v0;
	v63 =	vmul.f32 v62, v61  }
0x46: {  	p0 =	sne.s32 s14, s8;
	[tilespmem:s17+$0x900] =	vst v2  }
.Ltmp1:
0x47: {  	[tilespmem:s18+$0x900] =	vst v63;
	(pc) =	sbr.rel @p0 .LBB2_1-.Ltmp1, $4  }
0x48: {  	[hbm4b:s7+s2] =	stream.linear.scatter [tilespmem:s13], [sflag:$0x1], $0x400, $0x38;
	[tilespmem:$0xD00] =	vst v63  }
0x49: {  	_ =	swait.ge [sflag:s9], $0x400  }
0x4a: {  	[sflag:s9] =	ssyncset.done $0x0  }
0x4b: {  	[sflag:s9] =	ssyncadd.s32 $0xFFFFFC00  }
0x4c: {  	_ =	sfence.sel $0x180000  }
0x4d: {  	[bflag:$0x0] =	sbarrier.arrive $0xFFFF  }
0x4e: {  	p0 =	sne.s32 s1, $0x0;
	_ =	strace $0x90000047  }
0x4f: {  	s0 =	sadd.s32 @!p0 $0x100000, s0;
	[bflag:$0x2] =	sbarrier.arrive $0xFFFF  }
0x50: {  	[sflag:s0] =	ssyncadd.tile.s32 @!p0 $0x1;
	_ =	shalt  }
.Lfunc_end2:
_tile_overlayer_lowered:
.L_overlay_start_2:
0x51: {  	(tag) =	ssettag $0x2  }
0x52: {  	s0 =	rddreg [dreg:$0x0];
	s2 =	stileid.u32  }
0x53: {  	s1 =	rddreg [dreg:$0x1];
	p0 =	sne.s32 s2, $0x0  }
0x54: {  	s3 =	rddreg [dreg:$0x2];
	[bflag:$0x3] =	sbarrier.arrive $0xFFFF;
	s2 =	simm.s32 @!p0 $0x1C01  }
0x55: {  	[timem:s3], [sflag:s2] =	dma.local @!p0 [hbm:s0], s1  }
0x56: {  	s0 =	simm.s32 @!p0 $0x1  }
0x57: {  	_ =	swait.ge @!p0 [sflag:s0], s1  }
0x58: {  	s1 =	ssub.s32 @!p0 $0x0, s1;
	[sflag:s0] =	ssyncset.done @!p0 $0x0  }
0x59: {  	[sflag:s0] =	ssyncadd.s32 @!p0 s1  }
0x5a: {  	[bflag:$0x3] =	sbarrier.arrive $0xFFFF  }
0x5b: {  	_ =	shalt  }

</sc_bundles>
